<compile_context>
chip_gen: v7x
topology: tpu7x:2x2x1
jax: 0.10.2.dev20260603
libtpu: 0.0.44.dev20260713+nightly
codegen_flags: <defaults>
</compile_context>

<pallas_src>
import functools

import jax
import jax.numpy as jnp
from jax import lax
from jax.experimental import pallas as pl
from jax.experimental.pallas import tpu as pltpu
from jax.experimental.pallas import tpu_sc as plsc

_B, _SEQ, _V, _E = 4, 200, 100000, 32
_T = _B * _SEQ
_TPAD = 1024
_VT = 5120
_NT = -(-_V // _VT)

_NC, _NS = 2, 16
_NW = _NC * _NS
_RPW = _TPAD // _NW

_sc_mesh = plsc.VectorSubcoreMesh(core_axis_name="c", subcore_axis_name="s")


@functools.partial(
    pl.kernel,
    mesh=_sc_mesh,
    out_type=jax.ShapeDtypeStruct((_TPAD, _E), jnp.float32),
    scratch_types=[
        pltpu.VMEM((_RPW,), jnp.int32),
        pltpu.VMEM((_RPW, _E), jnp.float32),
        pltpu.SemaphoreType.DMA,
    ],
    compiler_params=pltpu.CompilerParams(use_tc_tiling_on_sc=False),
)
def _sc_gather(ids_hbm, wte_hbm, emb_out, idx_v, erows_v, sem):
    wid = lax.axis_index("s") * _NC + lax.axis_index("c")
    base = wid * _RPW
    pltpu.sync_copy(ids_hbm.at[pl.ds(base, _RPW)], idx_v)
    pltpu.async_copy(wte_hbm.at[idx_v], erows_v, sem).wait()
    pltpu.sync_copy(erows_v, emb_out.at[pl.ds(base, _RPW)])


def _tc_body(emb_ref, lab_ref, w_ref, b_ref,
             out_ref, loss_ref, s_ref, ld_ref):
    j = pl.program_id(0)
    emb = emb_ref[...]
    blk = lax.dot_general(emb, w_ref[...], (((1,), (0,)), ((), ())),
                          preferred_element_type=jnp.float32)
    blk = blk + b_ref[...]
    out_ref[...] = blk
    col = j * _VT + lax.broadcasted_iota(jnp.int32, (1, _VT), 1)

    @pl.when(j == 0)
    def _():
        s_ref[...] = jnp.zeros(s_ref.shape, jnp.float32)
        ld_ref[...] = jnp.zeros(ld_ref.shape, jnp.float32)

    ones = jnp.ones((_VT, 1), jnp.float32)
    lab = lab_ref[...]
    picked = jnp.where(lab == col, blk, 0.0)
    hit = lax.dot_general(picked, ones, (((1,), (0,)), ((), ())),
                          preferred_element_type=jnp.float32)
    e = jnp.exp(blk)
    ssum = lax.dot_general(e, ones, (((1,), (0,)), ((), ())),
                           preferred_element_type=jnp.float32)
    s_ref[...] = s_ref[...] + ssum
    ld_ref[...] = ld_ref[...] + hit

    @pl.when(j == _NT - 1)
    def _():
        s_fin = jnp.max(s_ref[...], axis=1, keepdims=True)
        ld_fin = jnp.max(ld_ref[...], axis=1, keepdims=True)
        lse = jnp.log(s_fin)
        validm = lab != -100
        nll = jnp.where(validm, lse - ld_fin, 0.0)
        denom = jnp.maximum(jnp.sum(validm.astype(jnp.float32)), 1.0)
        loss_ref[0, 0] = jnp.sum(nll) / denom


def _tc_call(emb, lab2, W, b2):
    return pl.pallas_call(
        _tc_body,
        grid=(_NT,),
        in_specs=[
            pl.BlockSpec((_T, _E), lambda j: (0, 0)),
            pl.BlockSpec((_T, 1), lambda j: (0, 0)),
            pl.BlockSpec((_E, _VT), lambda j: (0, j)),
            pl.BlockSpec((1, _VT), lambda j: (0, j)),
        ],
        out_specs=[
            pl.BlockSpec((_T, _VT), lambda j: (0, j)),
            pl.BlockSpec((1, 1), lambda j: (0, 0), memory_space=pltpu.SMEM),
        ],
        out_shape=[
            jax.ShapeDtypeStruct((_T, _V), jnp.float32),
            jax.ShapeDtypeStruct((1, 1), jnp.float32),
        ],
        scratch_shapes=[
            pltpu.VMEM((_T, 128), jnp.float32),
            pltpu.VMEM((_T, 128), jnp.float32),
        ],
        compiler_params=pltpu.CompilerParams(
            dimension_semantics=("arbitrary",),
            vmem_limit_bytes=100 * 1024 * 1024),
    )(emb, lab2, W, b2)


def kernel(input_ids, labels, wte, W, b):
    ids_flat = input_ids.reshape(-1).astype(jnp.int32)
    lab_flat = labels.reshape(-1).astype(jnp.int32)
    pad = jnp.zeros((_TPAD - _T,), jnp.int32)
    ids_pad = jnp.concatenate([ids_flat, pad])
    vpad = _NT * _VT - _V
    wt_pad = jnp.pad(W.T, ((0, 0), (0, vpad)))
    b_pad = jnp.pad(b, (0, vpad),
                    constant_values=-jnp.inf).reshape(1, _NT * _VT)
    emb_pad = _sc_gather(ids_pad, wte)
    logits_flat, loss11 = _tc_call(
        emb_pad[:_T], lab_flat.reshape(_T, 1), wt_pad, b_pad)
    return loss11[0, 0], logits_flat.reshape(_B, _SEQ, _V)

# --- scband reference (transcript-rebuilt; emitter-appended) ---
"""Pipeline reference for scband-boring-model-79697413144924 (READ-ONLY COPY).

The authoritative reference and input builder live on the scoring server;
editing this copy changes nothing except your own understanding.
"""

import jax, jax.numpy as jnp
import numpy as np

B = 4
SEQ = 200
VOCAB = 100000
EMBED = 32


def setup_inputs(seed: int = 0) -> dict:
    key = jax.random.key(seed)
    k1, k2, k3, k4 = jax.random.split(key, 4)
    input_ids = jax.random.randint(k1, (B, SEQ), 0, VOCAB, dtype=jnp.int32)
    labels = jax.random.randint(k2, (B, SEQ), 0, VOCAB, dtype=jnp.int32)
    # learned parameters
    wte = jax.random.normal(k3, (VOCAB, EMBED), dtype=jnp.float32)
    W = jax.random.normal(k4, (VOCAB, EMBED), dtype=jnp.float32) * 0.02  # Linear weight [out, in]
    b = jnp.zeros((VOCAB,), dtype=jnp.float32)
    return {"input_ids": input_ids, "labels": labels, "wte": wte, "W": W, "b": b}


def reference(input_ids, labels, wte, W, b):
    # logits = Linear(Embedding(input_ids))[:, :seq_length, :]
    emb = jnp.take(wte, input_ids, axis=0)            # [B, S, E] gather
    logits = jnp.einsum('bse,ve->bsv', emb, W) + b    # [B, S, V]
    logits = logits[:, :SEQ, :]
    # cross_entropy with ignore_index=-100, mean reduction over valid tokens
    flat = logits.reshape(-1, logits.shape[-1])
    lab = labels.reshape(-1)
    logp = jax.nn.log_softmax(flat, axis=-1)
    valid = lab != -100
    lab_safe = jnp.where(valid, lab, 0)
    nll = -jnp.take_along_axis(logp, lab_safe[:, None], axis=1)[:, 0]
    denom = jnp.maximum(jnp.sum(valid.astype(jnp.float32)), 1.0)
    loss = jnp.sum(jnp.where(valid, nll, 0.0)) / denom
    return loss, logits

if __name__ == "__main__":
    import jax
    _d = setup_inputs()
    print(jax.jit(kernel)(*tuple(_d.values())))

</pallas_src>

<mosaic_0001>
#map = affine_map<(d0, d1) -> (0)>
#map1 = affine_map<(d0, d1) -> (0, 0)>
module attributes {stable_mosaic.version = 14 : i64} {
  func.func @_sc_gather(%arg0: i32, %arg1: i32, %arg2: memref<1024xi32, #tpu.memory_space<hbm>>, %arg3: memref<100000x32xf32, #tpu.memory_space<hbm>>, %arg4: memref<1024x32xf32, #tpu.memory_space<hbm>>, %arg5: memref<32xi32, #tpu.memory_space<vmem>>, %arg6: memref<32x32xf32, #tpu.memory_space<vmem>>, %arg7: memref<!tpu.dma_semaphore, #tpu.memory_space<semaphore_mem>>) attributes {dimension_semantics = [#tpu.dimension_semantics<core_parallel>, #tpu.dimension_semantics<subcore_parallel>], iteration_bounds = array<i64: 2, 16>, scalar_prefetch = 0 : i64, scratch_operands = 3 : i64, tpu.core_type = #tpu.core_type<sc_vector_subcore>, window_params = [{transform_indices = #map}, {transform_indices = #map1}, {transform_indices = #map1}]} {
    %mul3A = arith.constant 2 : i32
    %mul3A_0 = arith.muli %arg1, %mul3A : i32
    %add3A = arith.addi %mul3A_0, %arg0 : i32
    %mul3A_1 = arith.constant 32 : i32
    %mul3A_2 = arith.muli %add3A, %mul3A_1 : i32
    "tpu.region"() ({
      %run_scoped3A = tpu.sem_alloc : memref<!tpu.dma_semaphore, #tpu.memory_space<semaphore_mem>>
      %dma_start3A_7 = tpu.memref_slice %arg2[%mul3A_2] : memref<1024xi32, #tpu.memory_space<hbm>> -> memref<32xi32, #tpu.memory_space<hbm>>
      %dma_start3A_8 = tpu.memref_slice %arg2[%mul3A_2] : memref<1024xi32, #tpu.memory_space<hbm>> -> memref<32xi32, #tpu.memory_space<hbm>>
      tpu.enqueue_dma source(%dma_start3A_8 : memref<32xi32, #tpu.memory_space<hbm>>) target(%arg5 : memref<32xi32, #tpu.memory_space<vmem>>) target_semaphore(%run_scoped3A : memref<!tpu.dma_semaphore, #tpu.memory_space<semaphore_mem>>)
      %dma_wait3A_9 = tpu.memref_slice %arg2[%mul3A_2] : memref<1024xi32, #tpu.memory_space<hbm>> -> memref<32xi32, #tpu.memory_space<hbm>>
      %dma_wait3A_10 = tpu.memref_slice %arg2[%mul3A_2] : memref<1024xi32, #tpu.memory_space<hbm>> -> memref<32xi32, #tpu.memory_space<hbm>>
      tpu.wait_dma2 semaphore(%run_scoped3A : memref<!tpu.dma_semaphore, #tpu.memory_space<semaphore_mem>>) src(%dma_wait3A_10 : memref<32xi32, #tpu.memory_space<hbm>>) dst(%arg5 : memref<32xi32, #tpu.memory_space<vmem>>)
      tpu.yield
    }) : () -> ()
    %dma_start3A = arith.constant 0 : i32
    %dma_start3A_3 = arith.constant 0 : i32
    %dma_start3A_4 = tpu.memref_slice %arg3[%dma_start3A, %dma_start3A_3] : memref<100000x32xf32, #tpu.memory_space<hbm>> -> memref<100000x32xf32, #tpu.memory_space<hbm>>
    tpu.enqueue_indirect_dma source(%dma_start3A_4 : memref<100000x32xf32, #tpu.memory_space<hbm>>) target(%arg6 : memref<32x32xf32, #tpu.memory_space<vmem>>) offsets(%arg5 : memref<32xi32, #tpu.memory_space<vmem>>) semaphore(%arg7 : memref<!tpu.dma_semaphore, #tpu.memory_space<semaphore_mem>>)
    %dma_wait3A = arith.constant 0 : i32
    %dma_wait3A_5 = arith.constant 0 : i32
    %dma_wait3A_6 = tpu.memref_slice %arg3[%dma_wait3A, %dma_wait3A_5] : memref<100000x32xf32, #tpu.memory_space<hbm>> -> memref<100000x32xf32, #tpu.memory_space<hbm>>
    tpu.wait_indirect_dma semaphore(%arg7 : memref<!tpu.dma_semaphore, #tpu.memory_space<semaphore_mem>>) src(%dma_wait3A_6 : memref<100000x32xf32, #tpu.memory_space<hbm>>) dst(%arg6 : memref<32x32xf32, #tpu.memory_space<vmem>>)
    "tpu.region"() ({
      %run_scoped3A = tpu.sem_alloc : memref<!tpu.dma_semaphore, #tpu.memory_space<semaphore_mem>>
      %dma_start3A_7 = arith.constant 0 : i32
      %dma_start3A_8 = tpu.memref_slice %arg4[%mul3A_2, %dma_start3A_7] : memref<1024x32xf32, #tpu.memory_space<hbm>> -> memref<32x32xf32, #tpu.memory_space<hbm>>
      %dma_start3A_9 = arith.constant 0 : i32
      %dma_start3A_10 = tpu.memref_slice %arg4[%mul3A_2, %dma_start3A_9] : memref<1024x32xf32, #tpu.memory_space<hbm>> -> memref<32x32xf32, #tpu.memory_space<hbm>>
      tpu.enqueue_dma source(%arg6 : memref<32x32xf32, #tpu.memory_space<vmem>>) target(%dma_start3A_10 : memref<32x32xf32, #tpu.memory_space<hbm>>) target_semaphore(%run_scoped3A : memref<!tpu.dma_semaphore, #tpu.memory_space<semaphore_mem>>)
      %dma_wait3A_11 = arith.constant 0 : i32
      %dma_wait3A_12 = tpu.memref_slice %arg4[%mul3A_2, %dma_wait3A_11] : memref<1024x32xf32, #tpu.memory_space<hbm>> -> memref<32x32xf32, #tpu.memory_space<hbm>>
      %dma_wait3A_13 = arith.constant 0 : i32
      %dma_wait3A_14 = tpu.memref_slice %arg4[%mul3A_2, %dma_wait3A_13] : memref<1024x32xf32, #tpu.memory_space<hbm>> -> memref<32x32xf32, #tpu.memory_space<hbm>>
      tpu.wait_dma2 semaphore(%run_scoped3A : memref<!tpu.dma_semaphore, #tpu.memory_space<semaphore_mem>>) src(%arg6 : memref<32x32xf32, #tpu.memory_space<vmem>>) dst(%dma_wait3A_14 : memref<32x32xf32, #tpu.memory_space<hbm>>)
      tpu.yield
    }) : () -> ()
    return
  }
}

module attributes {stable_mosaic.version = 14 : i64} {
  func.func @_tc_body(%arg0: i32, %arg1: memref<800x32xf32, #tpu.memory_space<vmem>>, %arg2: memref<800x1xi32, #tpu.memory_space<vmem>>, %arg3: memref<32x5120xf32, #tpu.memory_space<vmem>>, %arg4: memref<1x5120xf32, #tpu.memory_space<vmem>>, %arg5: memref<800x5120xf32, #tpu.memory_space<vmem>>, %arg6: memref<1x1xf32, #tpu.memory_space<smem>>, %arg7: memref<800x128xf32, #tpu.memory_space<vmem>>, %arg8: memref<800x128xf32, #tpu.memory_space<vmem>>) attributes {dimension_semantics = [#tpu.dimension_semantics<arbitrary>], iteration_bounds = array<i64: 20>, scalar_prefetch = 0 : i64, scratch_operands = 2 : i64, tpu.core_type = #tpu.core_type<tc>, window_params = [{pipeline_mode = #tpu.pipeline_mode<synchronous>, transform_indices = @transform_0, window_bounds = array<i64: 800, 32>}, {pipeline_mode = #tpu.pipeline_mode<synchronous>, transform_indices = @transform_1, window_bounds = array<i64: 800, 1>}, {transform_indices = @transform_2, window_bounds = array<i64: 32, 5120>}, {transform_indices = @transform_3, window_bounds = array<i64: 1, 5120>}, {transform_indices = @transform_4, window_bounds = array<i64: 800, 5120>}, {transform_indices = @transform_5, window_bounds = array<i64: 1, 1>}]} {
    %get3A = arith.constant 0 : index
    %get3A_0 = arith.constant 0 : index
    %get3A_1 = vector.load %arg1[%get3A, %get3A_0] : memref<800x32xf32, #tpu.memory_space<vmem>>, vector<800x32xf32>
    %get3A_2 = arith.constant 0 : index
    %get3A_3 = arith.constant 0 : index
    %get3A_4 = vector.load %arg3[%get3A_2, %get3A_3] : memref<32x5120xf32, #tpu.memory_space<vmem>>, vector<32x5120xf32>
    %dot_general3A = arith.constant dense<0.000000e+00> : vector<800x5120xf32>
    %dot_general3A_5 = tpu.matmul %get3A_1, %get3A_4, %dot_general3A {dimension_numbers = #tpu.dot_dimension_numbers<[1], [0], [0], [1], [0, 0, 1, 1], [], []>, transpose_lhs_hint = false} : vector<800x32xf32>, vector<32x5120xf32>, vector<800x5120xf32> -> vector<800x5120xf32>
    %get3A_6 = arith.constant 0 : index
    %get3A_7 = arith.constant 0 : index
    %get3A_8 = vector.load %arg4[%get3A_6, %get3A_7] : memref<1x5120xf32, #tpu.memory_space<vmem>>, vector<1x5120xf32>
    %add3A = vector.broadcast %get3A_8 : vector<1x5120xf32> to vector<800x5120xf32>
    %add3A_9 = arith.addf %dot_general3A_5, %add3A : vector<800x5120xf32>
    %swap3A = arith.constant 0 : index
    %swap3A_10 = arith.constant 0 : index
    %swap3A_11 = vector.load %arg5[%swap3A, %swap3A_10] : memref<800x5120xf32, #tpu.memory_space<vmem>>, vector<800x5120xf32>
    tpu.vector_store %arg5[%swap3A, %swap3A_10], %add3A_9 {strides = array<i32>} : memref<800x5120xf32, #tpu.memory_space<vmem>>, vector<800x5120xf32>,
    %mul3A = arith.constant 5120 : i32
    %mul3A_12 = arith.muli %arg0, %mul3A : i32
    %iota3A = tpu.iota {dimensions = array<i32: 1>} : vector<1x5120xi32>
    %add3A_13 = vector.broadcast %mul3A_12 : i32 to vector<1x5120xi32>
    %add3A_14 = arith.addi %add3A_13, %iota3A : vector<1x5120xi32>
    %eq3A = arith.constant 0 : i32
    %eq3A_15 = arith.cmpi eq, %arg0, %eq3A : i32
    %convert_element_type3A = arith.extui %eq3A_15 : i1 to i32
    %cond3A = arith.constant 0 : i32
    %cond3A_16 = arith.cmpi ne, %convert_element_type3A, %cond3A : i32
    scf.if %cond3A_16 {
      %broadcast_in_dim3A_50 = arith.constant 0.000000e+00 : f32
      %broadcast_in_dim3A_51 = vector.broadcast %broadcast_in_dim3A_50 : f32 to vector<800x128xf32>
      %swap3A_52 = arith.constant 0 : index
      %swap3A_53 = arith.constant 0 : index
      %swap3A_54 = vector.load %arg7[%swap3A_52, %swap3A_53] : memref<800x128xf32, #tpu.memory_space<vmem>>, vector<800x128xf32>
      tpu.vector_store %arg7[%swap3A_52, %swap3A_53], %broadcast_in_dim3A_51 {strides = array<i32>} : memref<800x128xf32, #tpu.memory_space<vmem>>, vector<800x128xf32>,
      %broadcast_in_dim3A_55 = arith.constant 0.000000e+00 : f32
      %broadcast_in_dim3A_56 = vector.broadcast %broadcast_in_dim3A_55 : f32 to vector<800x128xf32>
      %swap3A_57 = arith.constant 0 : index
      %swap3A_58 = arith.constant 0 : index
      %swap3A_59 = vector.load %arg8[%swap3A_57, %swap3A_58] : memref<800x128xf32, #tpu.memory_space<vmem>>, vector<800x128xf32>
      tpu.vector_store %arg8[%swap3A_57, %swap3A_58], %broadcast_in_dim3A_56 {strides = array<i32>} : memref<800x128xf32, #tpu.memory_space<vmem>>, vector<800x128xf32>,
    } else {
    }
    %broadcast_in_dim3A = arith.constant 1.000000e+00 : f32
    %broadcast_in_dim3A_17 = vector.broadcast %broadcast_in_dim3A : f32 to vector<5120x1xf32>
    %get3A_18 = arith.constant 0 : index
    %get3A_19 = arith.constant 0 : index
    %get3A_20 = vector.load %arg2[%get3A_18, %get3A_19] : memref<800x1xi32, #tpu.memory_space<vmem>>, vector<800x1xi32>
    %eq3A_21 = vector.broadcast %get3A_20 : vector<800x1xi32> to vector<800x5120xi32>
    %eq3A_22 = vector.broadcast %add3A_14 : vector<1x5120xi32> to vector<800x5120xi32>
    %eq3A_23 = arith.cmpi eq, %eq3A_21, %eq3A_22 : vector<800x5120xi32>
    %jit3A = arith.constant 0.000000e+00 : f32
    %broadcast_in_dim3A_24 = vector.broadcast %jit3A : f32 to vector<800x5120xf32>
    %select_n3A = arith.select %eq3A_23, %add3A_9, %broadcast_in_dim3A_24 : vector<800x5120xi1>, vector<800x5120xf32>
    %dot_general3A_25 = arith.constant dense<0.000000e+00> : vector<800x1xf32>
    %dot_general3A_26 = tpu.matmul %select_n3A, %broadcast_in_dim3A_17, %dot_general3A_25 {dimension_numbers = #tpu.dot_dimension_numbers<[1], [0], [0], [1], [0, 0, 1, 1], [], []>, transpose_lhs_hint = false} : vector<800x5120xf32>, vector<5120x1xf32>, vector<800x1xf32> -> vector<800x1xf32>
    %exp3A = math.exp %add3A_9 : vector<800x5120xf32>
    %dot_general3A_27 = arith.constant dense<0.000000e+00> : vector<800x1xf32>
    %dot_general3A_28 = tpu.matmul %exp3A, %broadcast_in_dim3A_17, %dot_general3A_27 {dimension_numbers = #tpu.dot_dimension_numbers<[1], [0], [0], [1], [0, 0, 1, 1], [], []>, transpose_lhs_hint = false} : vector<800x5120xf32>, vector<5120x1xf32>, vector<800x1xf32> -> vector<800x1xf32>
    %get3A_29 = arith.constant 0 : index
    %get3A_30 = arith.constant 0 : index
    %get3A_31 = vector.load %arg7[%get3A_29, %get3A_30] : memref<800x128xf32, #tpu.memory_space<vmem>>, vector<800x128xf32>
    %add3A_32 = vector.broadcast %dot_general3A_28 : vector<800x1xf32> to vector<800x128xf32>
    %add3A_33 = arith.addf %get3A_31, %add3A_32 : vector<800x128xf32>
    %swap3A_34 = arith.constant 0 : index
    %swap3A_35 = arith.constant 0 : index
    %swap3A_36 = vector.load %arg7[%swap3A_34, %swap3A_35] : memref<800x128xf32, #tpu.memory_space<vmem>>, vector<800x128xf32>
    tpu.vector_store %arg7[%swap3A_34, %swap3A_35], %add3A_33 {strides = array<i32>} : memref<800x128xf32, #tpu.memory_space<vmem>>, vector<800x128xf32>,
    %get3A_37 = arith.constant 0 : index
    %get3A_38 = arith.constant 0 : index
    %get3A_39 = vector.load %arg8[%get3A_37, %get3A_38] : memref<800x128xf32, #tpu.memory_space<vmem>>, vector<800x128xf32>
    %add3A_40 = vector.broadcast %dot_general3A_26 : vector<800x1xf32> to vector<800x128xf32>
    %add3A_41 = arith.addf %get3A_39, %add3A_40 : vector<800x128xf32>
    %swap3A_42 = arith.constant 0 : index
    %swap3A_43 = arith.constant 0 : index
    %swap3A_44 = vector.load %arg8[%swap3A_42, %swap3A_43] : memref<800x128xf32, #tpu.memory_space<vmem>>, vector<800x128xf32>
    tpu.vector_store %arg8[%swap3A_42, %swap3A_43], %add3A_41 {strides = array<i32>} : memref<800x128xf32, #tpu.memory_space<vmem>>, vector<800x128xf32>,
    %eq3A_45 = arith.constant 19 : i32
    %eq3A_46 = arith.cmpi eq, %arg0, %eq3A_45 : i32
    %convert_element_type3A_47 = arith.extui %eq3A_46 : i1 to i32
    %cond3A_48 = arith.constant 0 : i32
    %cond3A_49 = arith.cmpi ne, %convert_element_type3A_47, %cond3A_48 : i32
    scf.if %cond3A_49 {
      %get3A_50 = arith.constant 0 : index
      %get3A_51 = arith.constant 0 : index
      %get3A_52 = vector.load %arg7[%get3A_50, %get3A_51] : memref<800x128xf32, #tpu.memory_space<vmem>>, vector<800x128xf32>
      %reduce_max3A = arith.constant dense<0xFF800000> : vector<800xf32>
      %reduce_max3A_53 = vector.multi_reduction <maximumf>, %get3A_52, %reduce_max3A [1] : vector<800x128xf32> to vector<800xf32>
      %broadcast_in_dim3A_54 = vector.shape_cast %reduce_max3A_53 : vector<800xf32> to vector<800x1xf32>
      %get3A_55 = arith.constant 0 : index
      %get3A_56 = arith.constant 0 : index
      %get3A_57 = vector.load %arg8[%get3A_55, %get3A_56] : memref<800x128xf32, #tpu.memory_space<vmem>>, vector<800x128xf32>
      %reduce_max3A_58 = arith.constant dense<0xFF800000> : vector<800xf32>
      %reduce_max3A_59 = vector.multi_reduction <maximumf>, %get3A_57, %reduce_max3A_58 [1] : vector<800x128xf32> to vector<800xf32>
      %broadcast_in_dim3A_60 = vector.shape_cast %reduce_max3A_59 : vector<800xf32> to vector<800x1xf32>
      %log3A = math.log %broadcast_in_dim3A_54 : vector<800x1xf32>
      %ne3A = arith.constant -100 : i32
      %ne3A_61 = vector.broadcast %ne3A : i32 to vector<800x1xi32>
      %ne3A_62 = arith.cmpi ne, %get3A_20, %ne3A_61 : vector<800x1xi32>
      %sub3A = arith.subf %log3A, %broadcast_in_dim3A_60 : vector<800x1xf32>
      %jit3A_63 = arith.constant 0.000000e+00 : f32
      %broadcast_in_dim3A_64 = vector.broadcast %jit3A_63 : f32 to vector<800x1xf32>
      %select_n3A_65 = arith.select %ne3A_62, %sub3A, %broadcast_in_dim3A_64 : vector<800x1xi1>, vector<800x1xf32>
      %convert_element_type3A_66 = arith.extui %ne3A_62 : vector<800x1xi1> to vector<800x1xi32>
      %convert_element_type3A_67 = arith.sitofp %convert_element_type3A_66 : vector<800x1xi32> to vector<800x1xf32>
      %reduce_sum3A = vector.shape_cast %convert_element_type3A_67 : vector<800x1xf32> to vector<1x800x1xf32>
      %reduce_sum3A_68 = arith.constant dense<0.000000e+00> : vector<1xf32>
      %reduce_sum3A_69 = vector.multi_reduction <add>, %reduce_sum3A, %reduce_sum3A_68 [1, 2] : vector<1x800x1xf32> to vector<1xf32>
      %reduce_sum3A_70 = vector.shape_cast %reduce_sum3A_69 : vector<1xf32> to vector<1x1x1xf32>
      %reduce_sum3A_71 = vector.extract %reduce_sum3A_70[0, 0, 0] : f32 from vector<1x1x1xf32>
      %max3A = arith.constant 1.000000e+00 : f32
      %max3A_72 = arith.maximumf %reduce_sum3A_71, %max3A : f32
      %reduce_sum3A_73 = vector.shape_cast %select_n3A_65 : vector<800x1xf32> to vector<1x800x1xf32>
      %reduce_sum3A_74 = arith.constant dense<0.000000e+00> : vector<1xf32>
      %reduce_sum3A_75 = vector.multi_reduction <add>, %reduce_sum3A_73, %reduce_sum3A_74 [1, 2] : vector<1x800x1xf32> to vector<1xf32>
      %reduce_sum3A_76 = vector.shape_cast %reduce_sum3A_75 : vector<1xf32> to vector<1x1x1xf32>
      %reduce_sum3A_77 = vector.extract %reduce_sum3A_76[0, 0, 0] : f32 from vector<1x1x1xf32>
      %div3A = arith.divf %reduce_sum3A_77, %max3A_72 : f32
      %swap3A_78 = arith.constant 0 : index
      %swap3A_79 = arith.constant 0 : index
      %swap3A_80 = memref.load %arg6[%swap3A_78, %swap3A_79] : memref<1x1xf32, #tpu.memory_space<smem>>
      memref.store %div3A, %arg6[%swap3A_78, %swap3A_79] : memref<1x1xf32, #tpu.memory_space<smem>>
    } else {
    }
    return
  }
  func.func @transform_0(%arg0: i32) -> (i32, i32) {
    %c0_i32 = arith.constant 0 : i32
    %c0_i32_0 = arith.constant 0 : i32
    %c0_i32_1 = arith.constant 0 : i32
    return %c0_i32, %c0_i32_0 : i32, i32
  }
  func.func @transform_1(%arg0: i32) -> (i32, i32) {
    %c0_i32 = arith.constant 0 : i32
    %c0_i32_0 = arith.constant 0 : i32
    %c0_i32_1 = arith.constant 0 : i32
    return %c0_i32, %c0_i32_0 : i32, i32
  }
  func.func @transform_2(%arg0: i32) -> (i32, i32) {
    %c0_i32 = arith.constant 0 : i32
    %c0_i32_0 = arith.constant 0 : i32
    return %c0_i32, %arg0 : i32, i32
  }
  func.func @transform_3(%arg0: i32) -> (i32, i32) {
    %c0_i32 = arith.constant 0 : i32
    %c0_i32_0 = arith.constant 0 : i32
    return %c0_i32, %arg0 : i32, i32
  }
  func.func @transform_4(%arg0: i32) -> (i32, i32) {
    %c0_i32 = arith.constant 0 : i32
    %c0_i32_0 = arith.constant 0 : i32
    return %c0_i32, %arg0 : i32, i32
  }
  func.func @transform_5(%arg0: i32) -> (i32, i32) {
    %c0_i32 = arith.constant 0 : i32
    %c0_i32_0 = arith.constant 0 : i32
    %c0_i32_1 = arith.constant 0 : i32
    return %c0_i32, %c0_i32_0 : i32, i32
  }
}

</mosaic_0001>

<sc_bundles>
// kernel: kernel.4.cloned.1.call-start
scs
__scs_entry_jumppad:
0x0: {  	(pc) =	sbr.rel $0x88, $3  }
0x1: {  	(tag) =	ssettag $0x0;
	lr =	simm.s32 $0x1  }
0x2: {  	[smem:$0x3F9C] =	sst lr;
	_ =	strace $0xD0000000  }
0x3: {  	_ = 	snop  }
0x4: {  	_ = 	snop  }
0x5: {  	_ = 	snop  }
0x6: {  	_ = 	snop  }
0x7: {  	_ = 	snop  }
__scs_overlays_trampoline_lowered:
0x8: {  	[smem:$0x3FAB] =	sst s0  }
0x9: {  	[smem:$0x3FAC] =	sst s1  }
0xa: {  	[smem:$0x3FAD] =	sst s2  }
0xb: {  	[smem:$0x3FAE] =	sst s3  }
0xc: {  	[smem:$0x3FAF] =	sst s4  }
0xd: {  	[smem:$0x3FB0] =	sst s5  }
0xe: {  	[smem:$0x3FB1] =	sst s6  }
0xf: {  	[smem:$0x3FB2] =	sst s7  }
0x10: {  	[smem:$0x3FB3] =	sst s8  }
0x11: {  	[smem:$0x3FB4] =	sst s9;
	s0 =	simm.s32 @!p0 $0x0  }
0x12: {  	s1 =	sld [smem:$0x3F9A];
	s0 =	simm.s32 @p0 $0x1  }
0x13: {  	[smem:$0x3FB5] =	sst s0;
	s0 =	simm.s32 @!p1 $0x0  }
0x14: {  	s2 =	sld [smem:$0x3F99];
	s0 =	simm.s32 @p1 $0x1  }
0x15: {  	[smem:$0x3FB6] =	sst s0;
	s0 =	simm.s32 @!p2 $0x0  }
0x16: {  	s3 =	sld [smem:$0x3FDB];
	s0 =	simm.s32 @p2 $0x1  }
0x17: {  	s4 =	simm.s32 $0x1BF5;
	[smem:$0x3FB8] =	sst s0  }
0x18: {  	s0 =	sld [smem:$0x3F9B];
	_ =	swait.ge [sflag:s4], $0x0  }
0x19: {  	s7 =	sld [smem:$0x3F9C]  }
0x1a: {  	s8 =	sadd.s32 $0xFFFFE003, lr  }
0x1b: {  	s9 =	sadd.s32 $0xFFFFFEF7, lr;
	s5 =	simm.s32 $0xFFFFFFFF;
	p2 =	slt.u32 s8, $0xFFFFF086  }
0x1c: {  	p1 =	slt.u32 s9, $0xF7A;
	s5 =	simm.s32 @!p2 $0x0  }
0x1d: {  	s5 =	simm.s32 @p1 $0x1;
	p0 =	seq.s32 s7, s2  }
0x1e: {  	s7 =	smul.u32 @!p0 $0xF7A, s2;
	p2 =	seq.s32 @!p0 s5, $0x0  }
0x1f: {  	s9 =	smul.u32 $0xF7A, s1;
	s8 =	simm.s32 @!p0 $0x1BF5;
	p2 =	por !p2, p0  }
0x20: {  	[sflag:s8] =	ssyncset.s32 @!p0 $0xFFFFF086;
	s6 =	sadd.s32 @!p0 s3, s7;
	s7 =	simm.s32 @!p0 $0x108  }
0x21: {  	s3 =	sadd.s32 s3, s9;
	s6 =	sadd.s32 @!p0 $0x88, s6;
	s7 =	simm.s32 @p2 $0x1082  }
0x22: {  	[simem:s7], [sflag:s8] =	dma.local @!p0 [hbm:s6], $0xF7A  }
0x23: {  	s9 =	sor.u32 $0xD0000000, s2;
	s6 =	simm.s32 $0x108;
	_ =	swait.ge @!p0 [sflag:s8], $0x0  }
0x24: {  	s3 =	sadd.s32 $0x88, s3;
	s6 =	simm.s32 @!p1 $0x1082;
	[sflag:s4] =	ssyncset.s32 $0xFFFFF086  }
0x25: {  	[simem:s6], [sflag:s4] =	dma.local [hbm:s3], $0xF7A  }
0x26: {  	[smem:$0x3F9C] =	sst s1;
	(tag) =	ssettag s2;
	_ =	strace s9  }
0x27: {  	s1 =	sld [smem:$0x3FAC]  }
0x28: {  	s2 =	sld [smem:$0x3FAD]  }
0x29: {  	s4 =	sld [smem:$0x3FAF]  }
0x2a: {  	p0 =	seq.s32 s5, $0x0;
	s5 =	sld [smem:$0x3FB0]  }
0x2b: {  	s6 =	sld [smem:$0x3FB1]  }
0x2c: {  	s7 =	sld [smem:$0x3FB2]  }
0x2d: {  	s3 =	simm.s32 $0x108;
	s8 =	sld [smem:$0x3FB3]  }
0x2e: {  	s3 =	simm.s32 @!p0 $0x1082;
	s9 =	sld [smem:$0x3FB4]  }
0x2f: {  	lr =	sadd.s32 s0, s3;
	s0 =	sld [smem:$0x3FAB]  }
0x30: {  	s3 =	sld [smem:$0x3FAE]  }
0x31: {  	[smem:$0x3FB7] =	sst s10  }
0x32: {  	s10 =	sld [smem:$0x3FB5];
	_ =	sdelay $0x3  }
0x33: {  	p0 =	seq.s32 s10, $0x1;
	s10 =	sld [smem:$0x3FB7];
	_ =	sdelay $0x3  }
0x34: {  	[smem:$0x3FB7] =	sst s10  }
0x35: {  	s10 =	sld [smem:$0x3FB6];
	_ =	sdelay $0x3  }
0x36: {  	p1 =	seq.s32 s10, $0x1;
	s10 =	sld [smem:$0x3FB7];
	_ =	sdelay $0x3  }
0x37: {  	[smem:$0x3FB7] =	sst s10  }
0x38: {  	s10 =	sld [smem:$0x3FB8]  }
0x39: {  	_ = 	snop;
	(pc) =	sbr.ind lr, $3  }
0x3a: {  	_ = 	snop  }
0x3b: {  	_ = 	snop  }
0x3c: {  	p2 =	seq.s32 s10, $0x1;
	s10 =	sld [smem:$0x3FB7]  }
0x3d: {  	_ =	shalt  }
0x3e: {  	_ =	shalt  }
0x3f: {  	_ =	shalt  }
0x40: {  	_ =	shalt  }
0x41: {  	_ =	shalt  }
0x42: {  	_ =	shalt  }
0x43: {  	_ =	shalt  }
0x44: {  	_ =	shalt  }
0x45: {  	_ =	shalt  }
0x46: {  	_ =	shalt  }
0x47: {  	_ =	shalt  }
0x48: {  	_ =	shalt  }
0x49: {  	_ =	shalt  }
0x4a: {  	_ =	shalt  }
0x4b: {  	_ =	shalt  }
0x4c: {  	_ =	shalt  }
0x4d: {  	_ =	shalt  }
0x4e: {  	_ =	shalt  }
0x4f: {  	_ =	shalt  }
0x50: {  	_ =	shalt  }
0x51: {  	_ =	shalt  }
0x52: {  	_ =	shalt  }
0x53: {  	_ =	shalt  }
0x54: {  	_ =	shalt  }
0x55: {  	_ =	shalt  }
0x56: {  	_ =	shalt  }
0x57: {  	_ =	shalt  }
0x58: {  	_ =	shalt  }
0x59: {  	_ =	shalt  }
0x5a: {  	_ =	shalt  }
0x5b: {  	_ =	shalt  }
0x5c: {  	_ =	shalt  }
0x5d: {  	_ =	shalt  }
0x5e: {  	_ =	shalt  }
0x5f: {  	_ =	shalt  }
0x60: {  	_ =	shalt  }
0x61: {  	_ =	shalt  }
0x62: {  	_ =	shalt  }
0x63: {  	_ =	shalt  }
0x64: {  	_ =	shalt  }
0x65: {  	_ =	shalt  }
0x66: {  	_ =	shalt  }
0x67: {  	_ =	shalt  }
0x68: {  	_ =	shalt  }
0x69: {  	_ =	shalt  }
0x6a: {  	_ =	shalt  }
0x6b: {  	_ =	shalt  }
0x6c: {  	_ =	shalt  }
0x6d: {  	_ =	shalt  }
0x6e: {  	_ =	shalt  }
0x6f: {  	_ =	shalt  }
0x70: {  	_ =	shalt  }
0x71: {  	_ =	shalt  }
0x72: {  	_ =	shalt  }
0x73: {  	_ =	shalt  }
0x74: {  	_ =	shalt  }
0x75: {  	_ =	shalt  }
0x76: {  	_ =	shalt  }
0x77: {  	_ =	shalt  }
0x78: {  	_ =	shalt  }
0x79: {  	_ =	shalt  }
0x7a: {  	_ =	shalt  }
0x7b: {  	_ =	shalt  }
0x7c: {  	_ =	shalt  }
0x7d: {  	_ =	shalt  }
0x7e: {  	_ =	shalt  }
0x7f: {  	_ =	shalt  }
0x80: {  	_ =	shalt  }
0x81: {  	_ =	shalt  }
0x82: {  	_ =	shalt  }
0x83: {  	_ =	shalt  }
0x84: {  	_ =	shalt  }
0x85: {  	_ =	shalt  }
0x86: {  	_ =	shalt  }
0x87: {  	_ =	shalt  }
.Lfunc_end0:
.L_simem_size_0:
called_computation_lowered:
.L_overlay_start_0:
0x88: {  	s2 =	sld [smem:$0x3FD9]  }
0x89: {  	s3 =	sld [smem:$0x3FFE];
	_ =	sdelay $0x1  }
0x8a: {  	s1 =	srdreg.scid  }
0x8b: {  	s0 =	sand.u32 $0x1, s1  }
0x8c: {  	s14 =	sshll.u32 s0, $0xA;
	s2 =	sadd.s32 s3, s2  }
0x8d: {  	s2 =	sadd.s32 s2, s14  }
0x8e: {  	[smem:$0x3FC3] =	sst s2  }
0x8f: {  	_ = 	snop  }
0x90: {  	s2 =	sld [smem:$0x3FD0];
	_ =	sdelay $0x2  }
0x91: {  	s15 =	simm.s32 $0xA;
	s4 =	simm.s32 $0x10  }
0x92: {  	[smem:s4], [sflag:s15] =	dma.local [hbm:s2], $0x1  }
0x93: {  	_ =	swait.eq [sflag:s15], $0x1  }
0x94: {  	[sflag:s15] =	ssyncset.done $0x0  }
0x95: {  	[sflag:s15] =	ssyncadd.s32 $0xFFFFFFFF  }
0x96: {  	s16 =	sld [smem:$0x11];
	(tm) =	ssettm $0x1  }
0x97: {  	s17 =	sld [smem:$0x3FFB];
	_ =	sdelay $0x3  }
0x98: {  	_ =	strace s17  }
0x99: {  	s3 =	sld [smem:$0x3FFC];
	_ =	sdelay $0x3  }
0x9a: {  	_ =	strace s3  }
0x9b: {  	s3 =	sld [smem:$0x3FFD];
	_ =	sdelay $0x3  }
0x9c: {  	_ =	strace s3  }
0x9d: {  	_ =	strace $0x8FFFFFFF  }
0x9e: {  	s18 =	sld [smem:$0x3FDB];
	_ =	sdelay $0x1  }
0x9f: {  	s19 =	simm.s32 $_scs_section_size  }
0xa0: {  	s5 =	simm.s32 $_size__tile_overlayer_lowered;
	s6 =	simm.s32 $_tile_overlayer_lowered  }
0xa1: {  	s22 =	simm.s32 $0x1BFF;
	s21 =	sshll.u32 s6, $0x1;
	s3 =	sadd.s32 s19, s18  }
0xa2: {  	s7 =	simm.s32 $0x0;
	s20 =	sshll.u32 s5, $0x1;
	s5 =	sadd.s32 s21, s3  }
0xa3: {  	[timem:s7], [sflag:s22] =	dma.local [hbm:s5], s20  }
0xa4: {  	_ =	swait.ge [sflag:s22], s20  }
0xa5: {  	s4 =	ssub.s32 $0x0, s20;
	[sflag:s22] =	ssyncset.done $0x0  }
0xa6: {  	[sflag:s22] =	ssyncadd.s32 s4;
	_ =	sdelay $0x1  }
0xa7: {  	s23 =	simm.s32 $0x1B8B  }
0xa8: {  	_ =	swait.ge [sflag:s23], $0x1  }
0xa9: {  	[sflag:s23] =	ssyncset.done $0x0  }
0xaa: {  	s25 =	simm.s32 $0x1B8E;
	s24 =	sld [smem:$0x3FFE];
	[sflag:s23] =	ssyncadd.s32 $0xFFFFFFFF  }
0xab: {  	s26 =	simm.s32 $execute0_lowered;
	[smem:$0x3FD2] =	sst s25  }
0xac: {  	s5 =	sshll.u32 s26, $0x1;
	_ =	strace $0x80000046;
	[dreg:$0x1] =	wrdreg $0xFFFFFFFF  }
0xad: {  	s28 =	simm.s32 $_size_execute0_lowered;
	s3 =	sadd.s32 s3, s5;
	[dreg:$0x0] =	wrdreg $0x0  }
0xae: {  	s5 =	sshll.u32 s28, $0x1;
	[dreg:$0x2] =	wrdreg s3  }
0xaf: {  	[dreg:$0x3] =	wrdreg s5  }
0xb0: {  	[dreg:$0x4] =	wrdreg $0xC0  }
0xb1: {  	_ =	task [dreg:s7], $0x5FFFF  }
0xb2: {  	[dreg:$0x1] =	wrdreg $0xFFFFFFFF  }
0xb3: {  	[dreg:$0x0] =	wrdreg $0x60  }
0xb4: {  	[dreg:$0x2] =	wrdreg s24  }
0xb5: {  	[dreg:$0x3] =	wrdreg s16  }
0xb6: {  	[dreg:$0x4] =	wrdreg $0x9  }
0xb7: {  	_ =	task.clear_ibuf [dreg:s7], $0x5FFFF;
	_ =	strace $0x90000046  }
0xb8: {  	s29 =	simm.s32 $0x9;
	_ =	strace $0x80000048  }
0xb9: {  	_ =	swait.ge [sflag:s29], $0x1  }
0xba: {  	[sflag:s29] =	ssyncadd.s32 $0xFFFFFFFF  }
0xbb: {  	_ =	strace $0x90000048  }
0xbc: {  	_ =	sfence  }
0xbd: {  	s30 =	sld [smem:$0x0];
	_ =	sdelay $0x2  }
0xbe: {  	s31 =	sshll.u32 s1, $0xD;
	s1 =	sshrl.u32 s1, $0x2  }
0xbf: {  	s3 =	sand.u32 $0x4000, s31;
	s1 =	sadd.s32 s1, s30  }
0xc0: {  	s0 =	sor.u32 s3, s0;
	s1 =	sshll.u32 s1, $0x11  }
0xc1: {  	s0 =	sor.u32 s1, s0  }
0xc2: {  	s0 =	sadd.s32 $0x8F2B, s0  }
0xc3: {  	[sflag:s0] =	ssyncadd.remote.s32 $0x1  }
0xc4: {  	_ =	sfence.sel $0xFFFF  }
0xc5: {  	[dreg:$0x0] =	wrdreg $0xFFFFFFFF;
	(pc) =	sbr.abs _section_cstart, $3  }
0xc6: {  	[dreg:$0x1] =	wrdreg $0xFFFFFFFF  }
0xc7: {  	_ =	task.clear_ibuf [dreg:s7], $0x2FFFF;
	_ =	strace $0x9FFFFFFF  }
0xc8: {  	(tm) =	ssettm $0x7FFFFFFF  }
0xc9: {  	_ =	shalt  }
tec
execute0_lowered:
.L_overlay_start_1:
0x0: {  	(tag) =	ssettag $0x1  }
0x1: {  	s1 =	srdreg.scid  }
0x2: {  	s0 =	stileid.u32;
	s6 =	sand.u32 $0x1, s1  }
0x3: {  	s5 =	rddreg [dreg:$0x0];
	s30 =	sshll.u32 s0, $0x6;
	s2 =	sshll.u32 s6, $0x5  }
0x4: {  	s8 =	rddreg [dreg:$0x1];
	s9 =	sor.u32 s2, s30  }
0x5: {  	s1 =	rddreg [dreg:$0x2];
	s2 =	simm.s32 $0x0;
	s3 =	sshrl.u32 s9, $0x3  }
0x6: {  	s10 =	ssub.s32 $0x2, s6;
	[smem:$0x7FF] =	sst s2;
	s3 =	sadd.s32 s3, s5  }
0x7: {  	_ =	strace $0x80000047;
	s4 =	sadd.s32 $0x63600, s3;
	s3 =	simm.s32 $0x2  }
0x8: {  	[tilespmem:s2], [sflag:$0x2] =	stream.linear.gather [hbm4b:s4+s2], $0x20, $0x38;
	[tilespmem:$0x420] =	vst v63  }
0x9: {  	s7 =	simm.s32 $0x1;
	s11 =	sshrl.u32 s10, $0x1;
	_ =	swait.ge [sflag:s3], $0x20  }
0xa: {  	s6 =	simm.s32 $0x20;
	s10 =	ssub.s32 s10, s11;
	[sflag:s3] =	ssyncset.done $0x0  }
0xb: {  	s5 =	sadd.s32 $0x1A00, s5;
	s31 =	smax.u32 s10, $0x1;
	[sflag:s3] =	ssyncadd.s32 $0xFFFFFFE0  }
0xc: {  	[tilespmem:s6], [sflag:$0x1] =	stream.indirect.gather [hbm4b:s5+s6], $0x20, s2, s6, $0xb8;
	[tilespmem:$0x420] =	vst v63  }
0xd: {  	p0 =	sne.s32 s31, $0x1;
	_ =	swait.ge [sflag:s7], $0x400  }
.Ltmp0:
0xe: {  	s9 =	sshll.u32 s9, $0x2;
	[sflag:s7] =	ssyncset.done $0x0;
	(pc) =	sbr.rel @!p0 .LBB2_2-.Ltmp0, $4  }
0xf: {  	s8 =	sadd.s32 s8, s9;
	[sflag:s7] =	ssyncadd.s32 $0xFFFFFC00  }
0x10: {  	[hbm4b:s8+s2] =	stream.linear.scatter [tilespmem:s6], [sflag:$0x2], $0x400, $0x38;
	[tilespmem:$0x420] =	vst v63  }
0x11: {  	_ =	swait.ge [sflag:s3], $0x400  }
0x12: {  	s9 =	sadd.s32 $0xFFFFFFFF, s31;
	[sflag:s3] =	ssyncset.done $0x0  }
.LBB2_1:
0x13: {  	p0 =	sne.s32 s9, $0x1;
	s9 =	sadd.s32 $0xFFFFFFFF, s9;
	[sflag:s3] =	ssyncadd.s32 $0xFFFFFC00  }
0x14: {  	[tilespmem:s2], [sflag:$0x2] =	stream.linear.gather [hbm4b:s4+s2], $0x20, $0x38;
	[tilespmem:$0x420] =	vst v63  }
0x15: {  	_ =	swait.ge [sflag:s3], $0x20  }
0x16: {  	[sflag:s3] =	ssyncset.done $0x0  }
0x17: {  	[sflag:s3] =	ssyncadd.s32 $0xFFFFFFE0  }
0x18: {  	[tilespmem:s6], [sflag:$0x1] =	stream.indirect.gather [hbm4b:s5+s6], $0x20, s2, s6, $0xb8;
	[tilespmem:$0x420] =	vst v63  }
0x19: {  	_ =	swait.ge [sflag:s7], $0x400  }
.Ltmp1:
0x1a: {  	[sflag:s7] =	ssyncset.done $0x0;
	(pc) =	sbr.rel @p0 .LBB2_1-.Ltmp1, $4  }
0x1b: {  	[sflag:s7] =	ssyncadd.s32 $0xFFFFFC00  }
0x1c: {  	[hbm4b:s8+s2] =	stream.linear.scatter [tilespmem:s6], [sflag:$0x2], $0x400, $0x38;
	[tilespmem:$0x420] =	vst v63  }
0x1d: {  	_ =	swait.ge [sflag:s3], $0x400  }
0x1e: {  	[sflag:s3] =	ssyncset.done $0x0  }
.LBB2_2:
0x1f: {  	[sflag:s3] =	ssyncadd.s32 $0xFFFFFC00  }
0x20: {  	_ =	sfence.sel $0x180000  }
0x21: {  	[bflag:$0x0] =	sbarrier.arrive $0xFFFF  }
0x22: {  	p0 =	sne.s32 s0, $0x0;
	_ =	strace $0x90000047  }
0x23: {  	s0 =	sadd.s32 @!p0 $0x100000, s1;
	[bflag:$0x2] =	sbarrier.arrive $0xFFFF  }
0x24: {  	[sflag:s0] =	ssyncadd.tile.s32 @!p0 $0x1;
	_ =	shalt  }
.Lfunc_end2:
_tile_overlayer_lowered:
.L_overlay_start_2:
0x25: {  	(tag) =	ssettag $0x2  }
0x26: {  	s0 =	rddreg [dreg:$0x0];
	s2 =	stileid.u32  }
0x27: {  	s1 =	rddreg [dreg:$0x1];
	p0 =	sne.s32 s2, $0x0  }
0x28: {  	s3 =	rddreg [dreg:$0x2];
	[bflag:$0x3] =	sbarrier.arrive $0xFFFF;
	s2 =	simm.s32 @!p0 $0x1C02  }
0x29: {  	[timem:s3], [sflag:s2] =	dma.local @!p0 [hbm:s0], s1  }
0x2a: {  	s0 =	simm.s32 @!p0 $0x2  }
0x2b: {  	_ =	swait.ge @!p0 [sflag:s0], s1  }
0x2c: {  	s1 =	ssub.s32 @!p0 $0x0, s1;
	[sflag:s0] =	ssyncset.done @!p0 $0x0  }
0x2d: {  	[sflag:s0] =	ssyncadd.s32 @!p0 s1  }
0x2e: {  	[bflag:$0x3] =	sbarrier.arrive $0xFFFF  }
0x2f: {  	_ =	shalt  }

</sc_bundles>
